<compile_context>
chip_gen: v7x
topology: tpu7x:2x2x1
jax: 0.10.2.dev20260603
libtpu: 0.0.44.dev20260713+nightly
codegen_flags: <defaults>
</compile_context>

<pallas_src>
import functools

import jax
import jax.numpy as jnp
from jax import lax
from jax.experimental import pallas as pl
from jax.experimental.pallas import tpu as pltpu
from jax.experimental.pallas import tpu_sc as plsc

_VOCAB = 8192
_ROWS = 8192
_NC, _NS = 2, 16
_NW = _NC * _NS
_RPW = _ROWS // _NW
_CH = 2
_NBUF = 4
_NCHUNK = _RPW // _CH


def _sc_gather(idx2d, table):
    mesh = plsc.VectorSubcoreMesh(core_axis_name="c", subcore_axis_name="s")

    @functools.partial(
        pl.kernel,
        mesh=mesh,
        out_type=jax.ShapeDtypeStruct((_ROWS, _VOCAB), jnp.float32),
        scratch_types=(
            [pltpu.VMEM((_NCHUNK, _CH), jnp.int32)]
            + [pltpu.VMEM((_CH, _VOCAB), jnp.float32)] * _NBUF
            + [pltpu.SemaphoreType.DMA] * (2 * _NBUF)
        ),
    )
    def k(idx_hbm, table_hbm, out_hbm, idx_v, *rest):
        bufs = rest[:_NBUF]
        gsem = rest[_NBUF:2 * _NBUF]
        ssem = rest[2 * _NBUF:]
        wid = lax.axis_index("s") * _NC + lax.axis_index("c")
        base = wid * _RPW
        pltpu.sync_copy(idx_hbm.at[pl.ds(wid * _NCHUNK, _NCHUNK)], idx_v)

        pltpu.async_copy(table_hbm.at[idx_v.at[0]], bufs[0], gsem[0])

        def step(p, carry):
            for b in range(_NBUF):
                c = p * _NBUF + b
                b1 = (b + 1) % _NBUF

                @pl.when(c + 1 < _NCHUNK)
                def _():
                    @pl.when(c + 1 >= _NBUF)
                    def _():
                        pltpu.make_async_copy(
                            bufs[b1], out_hbm.at[pl.ds(0, _CH)], ssem[b1]
                        ).wait()

                    pltpu.async_copy(
                        table_hbm.at[idx_v.at[c + 1]], bufs[b1], gsem[b1]
                    )

                pltpu.make_async_copy(
                    table_hbm.at[idx_v.at[c]], bufs[b], gsem[b]
                ).wait()
                pltpu.async_copy(
                    bufs[b], out_hbm.at[pl.ds(base + c * _CH, _CH)], ssem[b]
                )
            return carry

        lax.fori_loop(0, _NCHUNK // _NBUF, step, 0)
        for b in range(_NBUF):
            pltpu.make_async_copy(
                bufs[b], out_hbm.at[pl.ds(0, _CH)], ssem[b]
            ).wait()

    return k(idx2d, table)


def kernel(idx, token_embedding_table):
    b, t = idx.shape
    idx2d = idx.reshape(_ROWS // _CH, _CH)
    out = _sc_gather(idx2d, token_embedding_table)
    return out.reshape(b, t, _VOCAB)

# --- scband reference (transcript-rebuilt; emitter-appended) ---
"""Pipeline reference for scband-bigram-language-model-62448824484262 (READ-ONLY COPY).

The authoritative reference and input builder live on the scoring server;
editing this copy changes nothing except your own understanding.
"""

import jax, jax.numpy as jnp
import numpy as np

VOCAB = 8192
B, T = 4, 2048


def setup_inputs(seed: int = 0) -> dict:
    key = jax.random.key(seed)
    k1, k2 = jax.random.split(key)
    idx = jax.random.randint(k1, (B, T), 0, VOCAB, dtype=jnp.int32)
    # nn.Embedding(vocab_size, vocab_size) weight, N(0,1) init like torch default
    token_embedding_table = jax.random.normal(k2, (VOCAB, VOCAB), dtype=jnp.float32)
    return {"idx": idx, "token_embedding_table": token_embedding_table}


def reference(idx, token_embedding_table):
    # forward with targets=None: logits = self.token_embedding_table(idx); loss = None
    logits = jnp.take(token_embedding_table, idx, axis=0)  # [B, T, VOCAB]
    return logits

if __name__ == "__main__":
    import jax
    _d = setup_inputs()
    print(jax.jit(kernel)(*tuple(_d.values())))

</pallas_src>

<mosaic_0001>
#map = affine_map<(d0, d1) -> (0, 0)>
module attributes {stable_mosaic.version = 14 : i64} {
  func.func @k(%arg0: i32, %arg1: i32, %arg2: memref<4096x2xi32, #tpu.memory_space<hbm>>, %arg3: memref<8192x8192xf32, #tpu.memory_space<hbm>>, %arg4: memref<8192x8192xf32, #tpu.memory_space<hbm>>, %arg5: memref<128x2xi32, #tpu.memory_space<vmem>>, %arg6: memref<2x8192xf32, #tpu.memory_space<vmem>>, %arg7: memref<2x8192xf32, #tpu.memory_space<vmem>>, %arg8: memref<2x8192xf32, #tpu.memory_space<vmem>>, %arg9: memref<2x8192xf32, #tpu.memory_space<vmem>>, %arg10: memref<!tpu.dma_semaphore, #tpu.memory_space<semaphore_mem>>, %arg11: memref<!tpu.dma_semaphore, #tpu.memory_space<semaphore_mem>>, %arg12: memref<!tpu.dma_semaphore, #tpu.memory_space<semaphore_mem>>, %arg13: memref<!tpu.dma_semaphore, #tpu.memory_space<semaphore_mem>>, %arg14: memref<!tpu.dma_semaphore, #tpu.memory_space<semaphore_mem>>, %arg15: memref<!tpu.dma_semaphore, #tpu.memory_space<semaphore_mem>>, %arg16: memref<!tpu.dma_semaphore, #tpu.memory_space<semaphore_mem>>, %arg17: memref<!tpu.dma_semaphore, #tpu.memory_space<semaphore_mem>>) attributes {dimension_semantics = [#tpu.dimension_semantics<core_parallel>, #tpu.dimension_semantics<subcore_parallel>], iteration_bounds = array<i64: 2, 16>, scalar_prefetch = 0 : i64, scratch_operands = 13 : i64, tpu.core_type = #tpu.core_type<sc_vector_subcore>, window_params = [{transform_indices = #map}, {transform_indices = #map}, {transform_indices = #map}]} {
    %mul3A = arith.constant 2 : i32
    %mul3A_0 = arith.muli %arg1, %mul3A : i32
    %add3A = arith.addi %mul3A_0, %arg0 : i32
    %mul3A_1 = arith.constant 256 : i32
    %mul3A_2 = arith.muli %add3A, %mul3A_1 : i32
    %mul3A_3 = arith.constant 128 : i32
    %mul3A_4 = arith.muli %add3A, %mul3A_3 : i32
    "tpu.region"() ({
      %run_scoped3A = tpu.sem_alloc : memref<!tpu.dma_semaphore, #tpu.memory_space<semaphore_mem>>
      %dma_start3A_39 = arith.constant 0 : i32
      %dma_start3A_40 = tpu.memref_slice %arg2[%mul3A_4, %dma_start3A_39] : memref<4096x2xi32, #tpu.memory_space<hbm>> -> memref<128x2xi32, #tpu.memory_space<hbm>>
      %dma_start3A_41 = arith.constant 0 : i32
      %dma_start3A_42 = tpu.memref_slice %arg2[%mul3A_4, %dma_start3A_41] : memref<4096x2xi32, #tpu.memory_space<hbm>> -> memref<128x2xi32, #tpu.memory_space<hbm>>
      tpu.enqueue_dma source(%dma_start3A_42 : memref<128x2xi32, #tpu.memory_space<hbm>>) target(%arg5 : memref<128x2xi32, #tpu.memory_space<vmem>>) target_semaphore(%run_scoped3A : memref<!tpu.dma_semaphore, #tpu.memory_space<semaphore_mem>>)
      %dma_wait3A_43 = arith.constant 0 : i32
      %dma_wait3A_44 = tpu.memref_slice %arg2[%mul3A_4, %dma_wait3A_43] : memref<4096x2xi32, #tpu.memory_space<hbm>> -> memref<128x2xi32, #tpu.memory_space<hbm>>
      %dma_wait3A_45 = arith.constant 0 : i32
      %dma_wait3A_46 = tpu.memref_slice %arg2[%mul3A_4, %dma_wait3A_45] : memref<4096x2xi32, #tpu.memory_space<hbm>> -> memref<128x2xi32, #tpu.memory_space<hbm>>
      tpu.wait_dma2 semaphore(%run_scoped3A : memref<!tpu.dma_semaphore, #tpu.memory_space<semaphore_mem>>) src(%dma_wait3A_46 : memref<128x2xi32, #tpu.memory_space<hbm>>) dst(%arg5 : memref<128x2xi32, #tpu.memory_space<vmem>>)
      tpu.yield
    }) : () -> ()
    %dma_start3A = arith.constant 0 : i32
    %dma_start3A_5 = arith.constant 0 : i32
    %dma_start3A_6 = tpu.memref_slice %arg5[%dma_start3A, %dma_start3A_5] : memref<128x2xi32, #tpu.memory_space<vmem>> -> memref<1x2xi32, #tpu.memory_space<vmem>>
    %dma_start3A_7 = tpu.memref_squeeze %dma_start3A_6 : memref<1x2xi32, #tpu.memory_space<vmem>> -> memref<2xi32, #tpu.memory_space<vmem>>
    %dma_start3A_8 = arith.constant 0 : i32
    %dma_start3A_9 = arith.constant 0 : i32
    %dma_start3A_10 = tpu.memref_slice %arg3[%dma_start3A_8, %dma_start3A_9] : memref<8192x8192xf32, #tpu.memory_space<hbm>> -> memref<8192x8192xf32, #tpu.memory_space<hbm>>
    tpu.enqueue_indirect_dma source(%dma_start3A_10 : memref<8192x8192xf32, #tpu.memory_space<hbm>>) target(%arg6 : memref<2x8192xf32, #tpu.memory_space<vmem>>) offsets(%dma_start3A_7 : memref<2xi32, #tpu.memory_space<vmem>>) semaphore(%arg10 : memref<!tpu.dma_semaphore, #tpu.memory_space<semaphore_mem>>)
    %scan3A = arith.constant 0 : i32
    %scan3A_11 = arith.constant 0 : i32
    %scan3A_12 = arith.constant 32 : i32
    %scan3A_13 = arith.addi %scan3A_11, %scan3A_12 : i32
    %scan3A_14 = arith.constant 1 : i32
    scf.for %scan3A_39 = %scan3A_11 to %scan3A_13 step %scan3A_14  : i32 {
      %mul3A_40 = arith.constant 4 : i32
      %mul3A_41 = arith.muli %scan3A_39, %mul3A_40 : i32
      %add3A_42 = arith.constant 0 : i32
      %add3A_43 = arith.addi %mul3A_41, %add3A_42 : i32
      %add3A_44 = arith.constant 1 : i32
      %add3A_45 = arith.addi %add3A_43, %add3A_44 : i32
      %lt3A = arith.constant 128 : i32
      %lt3A_46 = arith.cmpi slt, %add3A_45, %lt3A : i32
      %convert_element_type3A = arith.extui %lt3A_46 : i1 to i32
      %cond3A = arith.constant 0 : i32
      %cond3A_47 = arith.cmpi ne, %convert_element_type3A, %cond3A : i32
      scf.if %cond3A_47 {
        %add3A_133 = arith.constant 1 : i32
        %add3A_134 = arith.addi %add3A_43, %add3A_133 : i32
        %ge3A = arith.constant 4 : i32
        %ge3A_135 = arith.cmpi sge, %add3A_134, %ge3A : i32
        %convert_element_type3A_136 = arith.extui %ge3A_135 : i1 to i32
        %cond3A_137 = arith.constant 0 : i32
        %cond3A_138 = arith.cmpi ne, %convert_element_type3A_136, %cond3A_137 : i32
        scf.if %cond3A_138 {
          %dma_wait3A_147 = arith.constant 0 : i32
          %dma_wait3A_148 = arith.constant 0 : i32
          %dma_wait3A_149 = tpu.memref_slice %arg4[%dma_wait3A_147, %dma_wait3A_148] : memref<8192x8192xf32, #tpu.memory_space<hbm>> -> memref<2x8192xf32, #tpu.memory_space<hbm>>
          %dma_wait3A_150 = arith.constant 0 : i32
          %dma_wait3A_151 = arith.constant 0 : i32
          %dma_wait3A_152 = tpu.memref_slice %arg4[%dma_wait3A_150, %dma_wait3A_151] : memref<8192x8192xf32, #tpu.memory_space<hbm>> -> memref<2x8192xf32, #tpu.memory_space<hbm>>
          tpu.wait_dma2 semaphore(%arg15 : memref<!tpu.dma_semaphore, #tpu.memory_space<semaphore_mem>>) src(%arg7 : memref<2x8192xf32, #tpu.memory_space<vmem>>) dst(%dma_wait3A_152 : memref<2x8192xf32, #tpu.memory_space<hbm>>)
        } else {
        }
        %add3A_139 = arith.constant 1 : i32
        %add3A_140 = arith.addi %add3A_43, %add3A_139 : i32
        %dma_start3A_141 = arith.constant 0 : i32
        %dma_start3A_142 = tpu.memref_slice %arg5[%add3A_140, %dma_start3A_141] : memref<128x2xi32, #tpu.memory_space<vmem>> -> memref<1x2xi32, #tpu.memory_space<vmem>>
        %dma_start3A_143 = tpu.memref_squeeze %dma_start3A_142 : memref<1x2xi32, #tpu.memory_space<vmem>> -> memref<2xi32, #tpu.memory_space<vmem>>
        %dma_start3A_144 = arith.constant 0 : i32
        %dma_start3A_145 = arith.constant 0 : i32
        %dma_start3A_146 = tpu.memref_slice %arg3[%dma_start3A_144, %dma_start3A_145] : memref<8192x8192xf32, #tpu.memory_space<hbm>> -> memref<8192x8192xf32, #tpu.memory_space<hbm>>
        tpu.enqueue_indirect_dma source(%dma_start3A_146 : memref<8192x8192xf32, #tpu.memory_space<hbm>>) target(%arg7 : memref<2x8192xf32, #tpu.memory_space<vmem>>) offsets(%dma_start3A_143 : memref<2xi32, #tpu.memory_space<vmem>>) semaphore(%arg11 : memref<!tpu.dma_semaphore, #tpu.memory_space<semaphore_mem>>)
      } else {
      }
      %dma_wait3A_48 = arith.constant 0 : i32
      %dma_wait3A_49 = tpu.memref_slice %arg5[%add3A_43, %dma_wait3A_48] : memref<128x2xi32, #tpu.memory_space<vmem>> -> memref<1x2xi32, #tpu.memory_space<vmem>>
      %dma_wait3A_50 = tpu.memref_squeeze %dma_wait3A_49 : memref<1x2xi32, #tpu.memory_space<vmem>> -> memref<2xi32, #tpu.memory_space<vmem>>
      %dma_wait3A_51 = arith.constant 0 : i32
      %dma_wait3A_52 = arith.constant 0 : i32
      %dma_wait3A_53 = tpu.memref_slice %arg3[%dma_wait3A_51, %dma_wait3A_52] : memref<8192x8192xf32, #tpu.memory_space<hbm>> -> memref<8192x8192xf32, #tpu.memory_space<hbm>>
      tpu.wait_indirect_dma semaphore(%arg10 : memref<!tpu.dma_semaphore, #tpu.memory_space<semaphore_mem>>) src(%dma_wait3A_53 : memref<8192x8192xf32, #tpu.memory_space<hbm>>) dst(%arg6 : memref<2x8192xf32, #tpu.memory_space<vmem>>)
      %mul3A_54 = arith.constant 2 : i32
      %mul3A_55 = arith.muli %add3A_43, %mul3A_54 : i32
      %add3A_56 = arith.addi %mul3A_2, %mul3A_55 : i32
      %dma_start3A_57 = arith.constant 0 : i32
      %dma_start3A_58 = tpu.memref_slice %arg4[%add3A_56, %dma_start3A_57] : memref<8192x8192xf32, #tpu.memory_space<hbm>> -> memref<2x8192xf32, #tpu.memory_space<hbm>>
      %dma_start3A_59 = arith.constant 0 : i32
      %dma_start3A_60 = tpu.memref_slice %arg4[%add3A_56, %dma_start3A_59] : memref<8192x8192xf32, #tpu.memory_space<hbm>> -> memref<2x8192xf32, #tpu.memory_space<hbm>>
      tpu.enqueue_dma source(%arg6 : memref<2x8192xf32, #tpu.memory_space<vmem>>) target(%dma_start3A_60 : memref<2x8192xf32, #tpu.memory_space<hbm>>) target_semaphore(%arg14 : memref<!tpu.dma_semaphore, #tpu.memory_space<semaphore_mem>>)
      %mul3A_61 = arith.constant 4 : i32
      %mul3A_62 = arith.muli %scan3A_39, %mul3A_61 : i32
      %add3A_63 = arith.constant 1 : i32
      %add3A_64 = arith.addi %mul3A_62, %add3A_63 : i32
      %add3A_65 = arith.constant 1 : i32
      %add3A_66 = arith.addi %add3A_64, %add3A_65 : i32
      %lt3A_67 = arith.constant 128 : i32
      %lt3A_68 = arith.cmpi slt, %add3A_66, %lt3A_67 : i32
      %convert_element_type3A_69 = arith.extui %lt3A_68 : i1 to i32
      %cond3A_70 = arith.constant 0 : i32
      %cond3A_71 = arith.cmpi ne, %convert_element_type3A_69, %cond3A_70 : i32
      scf.if %cond3A_71 {
        %add3A_133 = arith.constant 1 : i32
        %add3A_134 = arith.addi %add3A_64, %add3A_133 : i32
        %ge3A = arith.constant 4 : i32
        %ge3A_135 = arith.cmpi sge, %add3A_134, %ge3A : i32
        %convert_element_type3A_136 = arith.extui %ge3A_135 : i1 to i32
        %cond3A_137 = arith.constant 0 : i32
        %cond3A_138 = arith.cmpi ne, %convert_element_type3A_136, %cond3A_137 : i32
        scf.if %cond3A_138 {
          %dma_wait3A_147 = arith.constant 0 : i32
          %dma_wait3A_148 = arith.constant 0 : i32
          %dma_wait3A_149 = tpu.memref_slice %arg4[%dma_wait3A_147, %dma_wait3A_148] : memref<8192x8192xf32, #tpu.memory_space<hbm>> -> memref<2x8192xf32, #tpu.memory_space<hbm>>
          %dma_wait3A_150 = arith.constant 0 : i32
          %dma_wait3A_151 = arith.constant 0 : i32
          %dma_wait3A_152 = tpu.memref_slice %arg4[%dma_wait3A_150, %dma_wait3A_151] : memref<8192x8192xf32, #tpu.memory_space<hbm>> -> memref<2x8192xf32, #tpu.memory_space<hbm>>
          tpu.wait_dma2 semaphore(%arg16 : memref<!tpu.dma_semaphore, #tpu.memory_space<semaphore_mem>>) src(%arg8 : memref<2x8192xf32, #tpu.memory_space<vmem>>) dst(%dma_wait3A_152 : memref<2x8192xf32, #tpu.memory_space<hbm>>)
        } else {
        }
        %add3A_139 = arith.constant 1 : i32
        %add3A_140 = arith.addi %add3A_64, %add3A_139 : i32
        %dma_start3A_141 = arith.constant 0 : i32
        %dma_start3A_142 = tpu.memref_slice %arg5[%add3A_140, %dma_start3A_141] : memref<128x2xi32, #tpu.memory_space<vmem>> -> memref<1x2xi32, #tpu.memory_space<vmem>>
        %dma_start3A_143 = tpu.memref_squeeze %dma_start3A_142 : memref<1x2xi32, #tpu.memory_space<vmem>> -> memref<2xi32, #tpu.memory_space<vmem>>
        %dma_start3A_144 = arith.constant 0 : i32
        %dma_start3A_145 = arith.constant 0 : i32
        %dma_start3A_146 = tpu.memref_slice %arg3[%dma_start3A_144, %dma_start3A_145] : memref<8192x8192xf32, #tpu.memory_space<hbm>> -> memref<8192x8192xf32, #tpu.memory_space<hbm>>
        tpu.enqueue_indirect_dma source(%dma_start3A_146 : memref<8192x8192xf32, #tpu.memory_space<hbm>>) target(%arg8 : memref<2x8192xf32, #tpu.memory_space<vmem>>) offsets(%dma_start3A_143 : memref<2xi32, #tpu.memory_space<vmem>>) semaphore(%arg12 : memref<!tpu.dma_semaphore, #tpu.memory_space<semaphore_mem>>)
      } else {
      }
      %dma_wait3A_72 = arith.constant 0 : i32
      %dma_wait3A_73 = tpu.memref_slice %arg5[%add3A_64, %dma_wait3A_72] : memref<128x2xi32, #tpu.memory_space<vmem>> -> memref<1x2xi32, #tpu.memory_space<vmem>>
      %dma_wait3A_74 = tpu.memref_squeeze %dma_wait3A_73 : memref<1x2xi32, #tpu.memory_space<vmem>> -> memref<2xi32, #tpu.memory_space<vmem>>
      %dma_wait3A_75 = arith.constant 0 : i32
      %dma_wait3A_76 = arith.constant 0 : i32
      %dma_wait3A_77 = tpu.memref_slice %arg3[%dma_wait3A_75, %dma_wait3A_76] : memref<8192x8192xf32, #tpu.memory_space<hbm>> -> memref<8192x8192xf32, #tpu.memory_space<hbm>>
      tpu.wait_indirect_dma semaphore(%arg11 : memref<!tpu.dma_semaphore, #tpu.memory_space<semaphore_mem>>) src(%dma_wait3A_77 : memref<8192x8192xf32, #tpu.memory_space<hbm>>) dst(%arg7 : memref<2x8192xf32, #tpu.memory_space<vmem>>)
      %mul3A_78 = arith.constant 2 : i32
      %mul3A_79 = arith.muli %add3A_64, %mul3A_78 : i32
      %add3A_80 = arith.addi %mul3A_2, %mul3A_79 : i32
      %dma_start3A_81 = arith.constant 0 : i32
      %dma_start3A_82 = tpu.memref_slice %arg4[%add3A_80, %dma_start3A_81] : memref<8192x8192xf32, #tpu.memory_space<hbm>> -> memref<2x8192xf32, #tpu.memory_space<hbm>>
      %dma_start3A_83 = arith.constant 0 : i32
      %dma_start3A_84 = tpu.memref_slice %arg4[%add3A_80, %dma_start3A_83] : memref<8192x8192xf32, #tpu.memory_space<hbm>> -> memref<2x8192xf32, #tpu.memory_space<hbm>>
      tpu.enqueue_dma source(%arg7 : memref<2x8192xf32, #tpu.memory_space<vmem>>) target(%dma_start3A_84 : memref<2x8192xf32, #tpu.memory_space<hbm>>) target_semaphore(%arg15 : memref<!tpu.dma_semaphore, #tpu.memory_space<semaphore_mem>>)
      %mul3A_85 = arith.constant 4 : i32
      %mul3A_86 = arith.muli %scan3A_39, %mul3A_85 : i32
      %add3A_87 = arith.constant 2 : i32
      %add3A_88 = arith.addi %mul3A_86, %add3A_87 : i32
      %add3A_89 = arith.constant 1 : i32
      %add3A_90 = arith.addi %add3A_88, %add3A_89 : i32
      %lt3A_91 = arith.constant 128 : i32
      %lt3A_92 = arith.cmpi slt, %add3A_90, %lt3A_91 : i32
      %convert_element_type3A_93 = arith.extui %lt3A_92 : i1 to i32
      %cond3A_94 = arith.constant 0 : i32
      %cond3A_95 = arith.cmpi ne, %convert_element_type3A_93, %cond3A_94 : i32
      scf.if %cond3A_95 {
        %add3A_133 = arith.constant 1 : i32
        %add3A_134 = arith.addi %add3A_88, %add3A_133 : i32
        %ge3A = arith.constant 4 : i32
        %ge3A_135 = arith.cmpi sge, %add3A_134, %ge3A : i32
        %convert_element_type3A_136 = arith.extui %ge3A_135 : i1 to i32
        %cond3A_137 = arith.constant 0 : i32
        %cond3A_138 = arith.cmpi ne, %convert_element_type3A_136, %cond3A_137 : i32
        scf.if %cond3A_138 {
          %dma_wait3A_147 = arith.constant 0 : i32
          %dma_wait3A_148 = arith.constant 0 : i32
          %dma_wait3A_149 = tpu.memref_slice %arg4[%dma_wait3A_147, %dma_wait3A_148] : memref<8192x8192xf32, #tpu.memory_space<hbm>> -> memref<2x8192xf32, #tpu.memory_space<hbm>>
          %dma_wait3A_150 = arith.constant 0 : i32
          %dma_wait3A_151 = arith.constant 0 : i32
          %dma_wait3A_152 = tpu.memref_slice %arg4[%dma_wait3A_150, %dma_wait3A_151] : memref<8192x8192xf32, #tpu.memory_space<hbm>> -> memref<2x8192xf32, #tpu.memory_space<hbm>>
          tpu.wait_dma2 semaphore(%arg17 : memref<!tpu.dma_semaphore, #tpu.memory_space<semaphore_mem>>) src(%arg9 : memref<2x8192xf32, #tpu.memory_space<vmem>>) dst(%dma_wait3A_152 : memref<2x8192xf32, #tpu.memory_space<hbm>>)
        } else {
        }
        %add3A_139 = arith.constant 1 : i32
        %add3A_140 = arith.addi %add3A_88, %add3A_139 : i32
        %dma_start3A_141 = arith.constant 0 : i32
        %dma_start3A_142 = tpu.memref_slice %arg5[%add3A_140, %dma_start3A_141] : memref<128x2xi32, #tpu.memory_space<vmem>> -> memref<1x2xi32, #tpu.memory_space<vmem>>
        %dma_start3A_143 = tpu.memref_squeeze %dma_start3A_142 : memref<1x2xi32, #tpu.memory_space<vmem>> -> memref<2xi32, #tpu.memory_space<vmem>>
        %dma_start3A_144 = arith.constant 0 : i32
        %dma_start3A_145 = arith.constant 0 : i32
        %dma_start3A_146 = tpu.memref_slice %arg3[%dma_start3A_144, %dma_start3A_145] : memref<8192x8192xf32, #tpu.memory_space<hbm>> -> memref<8192x8192xf32, #tpu.memory_space<hbm>>
        tpu.enqueue_indirect_dma source(%dma_start3A_146 : memref<8192x8192xf32, #tpu.memory_space<hbm>>) target(%arg9 : memref<2x8192xf32, #tpu.memory_space<vmem>>) offsets(%dma_start3A_143 : memref<2xi32, #tpu.memory_space<vmem>>) semaphore(%arg13 : memref<!tpu.dma_semaphore, #tpu.memory_space<semaphore_mem>>)
      } else {
      }
      %dma_wait3A_96 = arith.constant 0 : i32
      %dma_wait3A_97 = tpu.memref_slice %arg5[%add3A_88, %dma_wait3A_96] : memref<128x2xi32, #tpu.memory_space<vmem>> -> memref<1x2xi32, #tpu.memory_space<vmem>>
      %dma_wait3A_98 = tpu.memref_squeeze %dma_wait3A_97 : memref<1x2xi32, #tpu.memory_space<vmem>> -> memref<2xi32, #tpu.memory_space<vmem>>
      %dma_wait3A_99 = arith.constant 0 : i32
      %dma_wait3A_100 = arith.constant 0 : i32
      %dma_wait3A_101 = tpu.memref_slice %arg3[%dma_wait3A_99, %dma_wait3A_100] : memref<8192x8192xf32, #tpu.memory_space<hbm>> -> memref<8192x8192xf32, #tpu.memory_space<hbm>>
      tpu.wait_indirect_dma semaphore(%arg12 : memref<!tpu.dma_semaphore, #tpu.memory_space<semaphore_mem>>) src(%dma_wait3A_101 : memref<8192x8192xf32, #tpu.memory_space<hbm>>) dst(%arg8 : memref<2x8192xf32, #tpu.memory_space<vmem>>)
      %mul3A_102 = arith.constant 2 : i32
      %mul3A_103 = arith.muli %add3A_88, %mul3A_102 : i32
      %add3A_104 = arith.addi %mul3A_2, %mul3A_103 : i32
      %dma_start3A_105 = arith.constant 0 : i32
      %dma_start3A_106 = tpu.memref_slice %arg4[%add3A_104, %dma_start3A_105] : memref<8192x8192xf32, #tpu.memory_space<hbm>> -> memref<2x8192xf32, #tpu.memory_space<hbm>>
      %dma_start3A_107 = arith.constant 0 : i32
      %dma_start3A_108 = tpu.memref_slice %arg4[%add3A_104, %dma_start3A_107] : memref<8192x8192xf32, #tpu.memory_space<hbm>> -> memref<2x8192xf32, #tpu.memory_space<hbm>>
      tpu.enqueue_dma source(%arg8 : memref<2x8192xf32, #tpu.memory_space<vmem>>) target(%dma_start3A_108 : memref<2x8192xf32, #tpu.memory_space<hbm>>) target_semaphore(%arg16 : memref<!tpu.dma_semaphore, #tpu.memory_space<semaphore_mem>>)
      %mul3A_109 = arith.constant 4 : i32
      %mul3A_110 = arith.muli %scan3A_39, %mul3A_109 : i32
      %add3A_111 = arith.constant 3 : i32
      %add3A_112 = arith.addi %mul3A_110, %add3A_111 : i32
      %add3A_113 = arith.constant 1 : i32
      %add3A_114 = arith.addi %add3A_112, %add3A_113 : i32
      %lt3A_115 = arith.constant 128 : i32
      %lt3A_116 = arith.cmpi slt, %add3A_114, %lt3A_115 : i32
      %convert_element_type3A_117 = arith.extui %lt3A_116 : i1 to i32
      %cond3A_118 = arith.constant 0 : i32
      %cond3A_119 = arith.cmpi ne, %convert_element_type3A_117, %cond3A_118 : i32
      scf.if %cond3A_119 {
        %add3A_133 = arith.constant 1 : i32
        %add3A_134 = arith.addi %add3A_112, %add3A_133 : i32
        %ge3A = arith.constant 4 : i32
        %ge3A_135 = arith.cmpi sge, %add3A_134, %ge3A : i32
        %convert_element_type3A_136 = arith.extui %ge3A_135 : i1 to i32
        %cond3A_137 = arith.constant 0 : i32
        %cond3A_138 = arith.cmpi ne, %convert_element_type3A_136, %cond3A_137 : i32
        scf.if %cond3A_138 {
          %dma_wait3A_147 = arith.constant 0 : i32
          %dma_wait3A_148 = arith.constant 0 : i32
          %dma_wait3A_149 = tpu.memref_slice %arg4[%dma_wait3A_147, %dma_wait3A_148] : memref<8192x8192xf32, #tpu.memory_space<hbm>> -> memref<2x8192xf32, #tpu.memory_space<hbm>>
          %dma_wait3A_150 = arith.constant 0 : i32
          %dma_wait3A_151 = arith.constant 0 : i32
          %dma_wait3A_152 = tpu.memref_slice %arg4[%dma_wait3A_150, %dma_wait3A_151] : memref<8192x8192xf32, #tpu.memory_space<hbm>> -> memref<2x8192xf32, #tpu.memory_space<hbm>>
          tpu.wait_dma2 semaphore(%arg14 : memref<!tpu.dma_semaphore, #tpu.memory_space<semaphore_mem>>) src(%arg6 : memref<2x8192xf32, #tpu.memory_space<vmem>>) dst(%dma_wait3A_152 : memref<2x8192xf32, #tpu.memory_space<hbm>>)
        } else {
        }
        %add3A_139 = arith.constant 1 : i32
        %add3A_140 = arith.addi %add3A_112, %add3A_139 : i32
        %dma_start3A_141 = arith.constant 0 : i32
        %dma_start3A_142 = tpu.memref_slice %arg5[%add3A_140, %dma_start3A_141] : memref<128x2xi32, #tpu.memory_space<vmem>> -> memref<1x2xi32, #tpu.memory_space<vmem>>
        %dma_start3A_143 = tpu.memref_squeeze %dma_start3A_142 : memref<1x2xi32, #tpu.memory_space<vmem>> -> memref<2xi32, #tpu.memory_space<vmem>>
        %dma_start3A_144 = arith.constant 0 : i32
        %dma_start3A_145 = arith.constant 0 : i32
        %dma_start3A_146 = tpu.memref_slice %arg3[%dma_start3A_144, %dma_start3A_145] : memref<8192x8192xf32, #tpu.memory_space<hbm>> -> memref<8192x8192xf32, #tpu.memory_space<hbm>>
        tpu.enqueue_indirect_dma source(%dma_start3A_146 : memref<8192x8192xf32, #tpu.memory_space<hbm>>) target(%arg6 : memref<2x8192xf32, #tpu.memory_space<vmem>>) offsets(%dma_start3A_143 : memref<2xi32, #tpu.memory_space<vmem>>) semaphore(%arg10 : memref<!tpu.dma_semaphore, #tpu.memory_space<semaphore_mem>>)
      } else {
      }
      %dma_wait3A_120 = arith.constant 0 : i32
      %dma_wait3A_121 = tpu.memref_slice %arg5[%add3A_112, %dma_wait3A_120] : memref<128x2xi32, #tpu.memory_space<vmem>> -> memref<1x2xi32, #tpu.memory_space<vmem>>
      %dma_wait3A_122 = tpu.memref_squeeze %dma_wait3A_121 : memref<1x2xi32, #tpu.memory_space<vmem>> -> memref<2xi32, #tpu.memory_space<vmem>>
      %dma_wait3A_123 = arith.constant 0 : i32
      %dma_wait3A_124 = arith.constant 0 : i32
      %dma_wait3A_125 = tpu.memref_slice %arg3[%dma_wait3A_123, %dma_wait3A_124] : memref<8192x8192xf32, #tpu.memory_space<hbm>> -> memref<8192x8192xf32, #tpu.memory_space<hbm>>
      tpu.wait_indirect_dma semaphore(%arg13 : memref<!tpu.dma_semaphore, #tpu.memory_space<semaphore_mem>>) src(%dma_wait3A_125 : memref<8192x8192xf32, #tpu.memory_space<hbm>>) dst(%arg9 : memref<2x8192xf32, #tpu.memory_space<vmem>>)
      %mul3A_126 = arith.constant 2 : i32
      %mul3A_127 = arith.muli %add3A_112, %mul3A_126 : i32
      %add3A_128 = arith.addi %mul3A_2, %mul3A_127 : i32
      %dma_start3A_129 = arith.constant 0 : i32
      %dma_start3A_130 = tpu.memref_slice %arg4[%add3A_128, %dma_start3A_129] : memref<8192x8192xf32, #tpu.memory_space<hbm>> -> memref<2x8192xf32, #tpu.memory_space<hbm>>
      %dma_start3A_131 = arith.constant 0 : i32
      %dma_start3A_132 = tpu.memref_slice %arg4[%add3A_128, %dma_start3A_131] : memref<8192x8192xf32, #tpu.memory_space<hbm>> -> memref<2x8192xf32, #tpu.memory_space<hbm>>
      tpu.enqueue_dma source(%arg9 : memref<2x8192xf32, #tpu.memory_space<vmem>>) target(%dma_start3A_132 : memref<2x8192xf32, #tpu.memory_space<hbm>>) target_semaphore(%arg17 : memref<!tpu.dma_semaphore, #tpu.memory_space<semaphore_mem>>)
    }
    %scan3A_15 = arith.constant 32 : i32
    %dma_wait3A = arith.constant 0 : i32
    %dma_wait3A_16 = arith.constant 0 : i32
    %dma_wait3A_17 = tpu.memref_slice %arg4[%dma_wait3A, %dma_wait3A_16] : memref<8192x8192xf32, #tpu.memory_space<hbm>> -> memref<2x8192xf32, #tpu.memory_space<hbm>>
    %dma_wait3A_18 = arith.constant 0 : i32
    %dma_wait3A_19 = arith.constant 0 : i32
    %dma_wait3A_20 = tpu.memref_slice %arg4[%dma_wait3A_18, %dma_wait3A_19] : memref<8192x8192xf32, #tpu.memory_space<hbm>> -> memref<2x8192xf32, #tpu.memory_space<hbm>>
    tpu.wait_dma2 semaphore(%arg14 : memref<!tpu.dma_semaphore, #tpu.memory_space<semaphore_mem>>) src(%arg6 : memref<2x8192xf32, #tpu.memory_space<vmem>>) dst(%dma_wait3A_20 : memref<2x8192xf32, #tpu.memory_space<hbm>>)
    %dma_wait3A_21 = arith.constant 0 : i32
    %dma_wait3A_22 = arith.constant 0 : i32
    %dma_wait3A_23 = tpu.memref_slice %arg4[%dma_wait3A_21, %dma_wait3A_22] : memref<8192x8192xf32, #tpu.memory_space<hbm>> -> memref<2x8192xf32, #tpu.memory_space<hbm>>
    %dma_wait3A_24 = arith.constant 0 : i32
    %dma_wait3A_25 = arith.constant 0 : i32
    %dma_wait3A_26 = tpu.memref_slice %arg4[%dma_wait3A_24, %dma_wait3A_25] : memref<8192x8192xf32, #tpu.memory_space<hbm>> -> memref<2x8192xf32, #tpu.memory_space<hbm>>
    tpu.wait_dma2 semaphore(%arg15 : memref<!tpu.dma_semaphore, #tpu.memory_space<semaphore_mem>>) src(%arg7 : memref<2x8192xf32, #tpu.memory_space<vmem>>) dst(%dma_wait3A_26 : memref<2x8192xf32, #tpu.memory_space<hbm>>)
    %dma_wait3A_27 = arith.constant 0 : i32
    %dma_wait3A_28 = arith.constant 0 : i32
    %dma_wait3A_29 = tpu.memref_slice %arg4[%dma_wait3A_27, %dma_wait3A_28] : memref<8192x8192xf32, #tpu.memory_space<hbm>> -> memref<2x8192xf32, #tpu.memory_space<hbm>>
    %dma_wait3A_30 = arith.constant 0 : i32
    %dma_wait3A_31 = arith.constant 0 : i32
    %dma_wait3A_32 = tpu.memref_slice %arg4[%dma_wait3A_30, %dma_wait3A_31] : memref<8192x8192xf32, #tpu.memory_space<hbm>> -> memref<2x8192xf32, #tpu.memory_space<hbm>>
    tpu.wait_dma2 semaphore(%arg16 : memref<!tpu.dma_semaphore, #tpu.memory_space<semaphore_mem>>) src(%arg8 : memref<2x8192xf32, #tpu.memory_space<vmem>>) dst(%dma_wait3A_32 : memref<2x8192xf32, #tpu.memory_space<hbm>>)
    %dma_wait3A_33 = arith.constant 0 : i32
    %dma_wait3A_34 = arith.constant 0 : i32
    %dma_wait3A_35 = tpu.memref_slice %arg4[%dma_wait3A_33, %dma_wait3A_34] : memref<8192x8192xf32, #tpu.memory_space<hbm>> -> memref<2x8192xf32, #tpu.memory_space<hbm>>
    %dma_wait3A_36 = arith.constant 0 : i32
    %dma_wait3A_37 = arith.constant 0 : i32
    %dma_wait3A_38 = tpu.memref_slice %arg4[%dma_wait3A_36, %dma_wait3A_37] : memref<8192x8192xf32, #tpu.memory_space<hbm>> -> memref<2x8192xf32, #tpu.memory_space<hbm>>
    tpu.wait_dma2 semaphore(%arg17 : memref<!tpu.dma_semaphore, #tpu.memory_space<semaphore_mem>>) src(%arg9 : memref<2x8192xf32, #tpu.memory_space<vmem>>) dst(%dma_wait3A_38 : memref<2x8192xf32, #tpu.memory_space<hbm>>)
    return
  }
}

</mosaic_0001>

<sc_bundles>
// kernel: kernel.3.cloned.1.call-start
scs
__scs_entry_jumppad:
0x0: {  	(pc) =	sbr.rel $0x88, $3  }
0x1: {  	(tag) =	ssettag $0x0;
	lr =	simm.s32 $0x1  }
0x2: {  	[smem:$0x3F9F] =	sst lr;
	_ =	strace $0xD0000000  }
0x3: {  	_ = 	snop  }
0x4: {  	_ = 	snop  }
0x5: {  	_ = 	snop  }
0x6: {  	_ = 	snop  }
0x7: {  	_ = 	snop  }
__scs_overlays_trampoline_lowered:
0x8: {  	[smem:$0x3FAE] =	sst s0  }
0x9: {  	[smem:$0x3FAF] =	sst s1  }
0xa: {  	[smem:$0x3FB0] =	sst s2  }
0xb: {  	[smem:$0x3FB1] =	sst s3  }
0xc: {  	[smem:$0x3FB2] =	sst s4  }
0xd: {  	[smem:$0x3FB3] =	sst s5  }
0xe: {  	[smem:$0x3FB4] =	sst s6  }
0xf: {  	[smem:$0x3FB5] =	sst s7  }
0x10: {  	[smem:$0x3FB6] =	sst s8  }
0x11: {  	[smem:$0x3FB7] =	sst s9;
	s0 =	simm.s32 @!p0 $0x0  }
0x12: {  	s1 =	sld [smem:$0x3F9D];
	s0 =	simm.s32 @p0 $0x1  }
0x13: {  	[smem:$0x3FB8] =	sst s0;
	s0 =	simm.s32 @!p1 $0x0  }
0x14: {  	s2 =	sld [smem:$0x3F9C];
	s0 =	simm.s32 @p1 $0x1  }
0x15: {  	[smem:$0x3FB9] =	sst s0;
	s0 =	simm.s32 @!p2 $0x0  }
0x16: {  	s3 =	sld [smem:$0x3FDB];
	s0 =	simm.s32 @p2 $0x1  }
0x17: {  	s4 =	simm.s32 $0x1BF5;
	[smem:$0x3FBB] =	sst s0  }
0x18: {  	s0 =	sld [smem:$0x3F9E];
	_ =	swait.ge [sflag:s4], $0x0  }
0x19: {  	s7 =	sld [smem:$0x3F9F]  }
0x1a: {  	s8 =	sadd.s32 $0xFFFFE003, lr  }
0x1b: {  	s9 =	sadd.s32 $0xFFFFFEF7, lr;
	s5 =	simm.s32 $0xFFFFFFFF;
	p2 =	slt.u32 s8, $0xFFFFF086  }
0x1c: {  	p1 =	slt.u32 s9, $0xF7A;
	s5 =	simm.s32 @!p2 $0x0  }
0x1d: {  	s5 =	simm.s32 @p1 $0x1;
	p0 =	seq.s32 s7, s2  }
0x1e: {  	s7 =	smul.u32 @!p0 $0xF7A, s2;
	p2 =	seq.s32 @!p0 s5, $0x0  }
0x1f: {  	s9 =	smul.u32 $0xF7A, s1;
	s8 =	simm.s32 @!p0 $0x1BF5;
	p2 =	por !p2, p0  }
0x20: {  	[sflag:s8] =	ssyncset.s32 @!p0 $0xFFFFF086;
	s6 =	sadd.s32 @!p0 s3, s7;
	s7 =	simm.s32 @!p0 $0x108  }
0x21: {  	s3 =	sadd.s32 s3, s9;
	s6 =	sadd.s32 @!p0 $0x88, s6;
	s7 =	simm.s32 @p2 $0x1082  }
0x22: {  	[simem:s7], [sflag:s8] =	dma.local @!p0 [hbm:s6], $0xF7A  }
0x23: {  	s9 =	sor.u32 $0xD0000000, s2;
	s6 =	simm.s32 $0x108;
	_ =	swait.ge @!p0 [sflag:s8], $0x0  }
0x24: {  	s3 =	sadd.s32 $0x88, s3;
	s6 =	simm.s32 @!p1 $0x1082;
	[sflag:s4] =	ssyncset.s32 $0xFFFFF086  }
0x25: {  	[simem:s6], [sflag:s4] =	dma.local [hbm:s3], $0xF7A  }
0x26: {  	[smem:$0x3F9F] =	sst s1;
	(tag) =	ssettag s2;
	_ =	strace s9  }
0x27: {  	s1 =	sld [smem:$0x3FAF]  }
0x28: {  	s2 =	sld [smem:$0x3FB0]  }
0x29: {  	s4 =	sld [smem:$0x3FB2]  }
0x2a: {  	p0 =	seq.s32 s5, $0x0;
	s5 =	sld [smem:$0x3FB3]  }
0x2b: {  	s6 =	sld [smem:$0x3FB4]  }
0x2c: {  	s7 =	sld [smem:$0x3FB5]  }
0x2d: {  	s3 =	simm.s32 $0x108;
	s8 =	sld [smem:$0x3FB6]  }
0x2e: {  	s3 =	simm.s32 @!p0 $0x1082;
	s9 =	sld [smem:$0x3FB7]  }
0x2f: {  	lr =	sadd.s32 s0, s3;
	s0 =	sld [smem:$0x3FAE]  }
0x30: {  	s3 =	sld [smem:$0x3FB1]  }
0x31: {  	[smem:$0x3FBA] =	sst s10  }
0x32: {  	s10 =	sld [smem:$0x3FB8];
	_ =	sdelay $0x3  }
0x33: {  	p0 =	seq.s32 s10, $0x1;
	s10 =	sld [smem:$0x3FBA];
	_ =	sdelay $0x3  }
0x34: {  	[smem:$0x3FBA] =	sst s10  }
0x35: {  	s10 =	sld [smem:$0x3FB9];
	_ =	sdelay $0x3  }
0x36: {  	p1 =	seq.s32 s10, $0x1;
	s10 =	sld [smem:$0x3FBA];
	_ =	sdelay $0x3  }
0x37: {  	[smem:$0x3FBA] =	sst s10  }
0x38: {  	s10 =	sld [smem:$0x3FBB]  }
0x39: {  	_ = 	snop;
	(pc) =	sbr.ind lr, $3  }
0x3a: {  	_ = 	snop  }
0x3b: {  	_ = 	snop  }
0x3c: {  	p2 =	seq.s32 s10, $0x1;
	s10 =	sld [smem:$0x3FBA]  }
0x3d: {  	_ =	shalt  }
0x3e: {  	_ =	shalt  }
0x3f: {  	_ =	shalt  }
0x40: {  	_ =	shalt  }
0x41: {  	_ =	shalt  }
0x42: {  	_ =	shalt  }
0x43: {  	_ =	shalt  }
0x44: {  	_ =	shalt  }
0x45: {  	_ =	shalt  }
0x46: {  	_ =	shalt  }
0x47: {  	_ =	shalt  }
0x48: {  	_ =	shalt  }
0x49: {  	_ =	shalt  }
0x4a: {  	_ =	shalt  }
0x4b: {  	_ =	shalt  }
0x4c: {  	_ =	shalt  }
0x4d: {  	_ =	shalt  }
0x4e: {  	_ =	shalt  }
0x4f: {  	_ =	shalt  }
0x50: {  	_ =	shalt  }
0x51: {  	_ =	shalt  }
0x52: {  	_ =	shalt  }
0x53: {  	_ =	shalt  }
0x54: {  	_ =	shalt  }
0x55: {  	_ =	shalt  }
0x56: {  	_ =	shalt  }
0x57: {  	_ =	shalt  }
0x58: {  	_ =	shalt  }
0x59: {  	_ =	shalt  }
0x5a: {  	_ =	shalt  }
0x5b: {  	_ =	shalt  }
0x5c: {  	_ =	shalt  }
0x5d: {  	_ =	shalt  }
0x5e: {  	_ =	shalt  }
0x5f: {  	_ =	shalt  }
0x60: {  	_ =	shalt  }
0x61: {  	_ =	shalt  }
0x62: {  	_ =	shalt  }
0x63: {  	_ =	shalt  }
0x64: {  	_ =	shalt  }
0x65: {  	_ =	shalt  }
0x66: {  	_ =	shalt  }
0x67: {  	_ =	shalt  }
0x68: {  	_ =	shalt  }
0x69: {  	_ =	shalt  }
0x6a: {  	_ =	shalt  }
0x6b: {  	_ =	shalt  }
0x6c: {  	_ =	shalt  }
0x6d: {  	_ =	shalt  }
0x6e: {  	_ =	shalt  }
0x6f: {  	_ =	shalt  }
0x70: {  	_ =	shalt  }
0x71: {  	_ =	shalt  }
0x72: {  	_ =	shalt  }
0x73: {  	_ =	shalt  }
0x74: {  	_ =	shalt  }
0x75: {  	_ =	shalt  }
0x76: {  	_ =	shalt  }
0x77: {  	_ =	shalt  }
0x78: {  	_ =	shalt  }
0x79: {  	_ =	shalt  }
0x7a: {  	_ =	shalt  }
0x7b: {  	_ =	shalt  }
0x7c: {  	_ =	shalt  }
0x7d: {  	_ =	shalt  }
0x7e: {  	_ =	shalt  }
0x7f: {  	_ =	shalt  }
0x80: {  	_ =	shalt  }
0x81: {  	_ =	shalt  }
0x82: {  	_ =	shalt  }
0x83: {  	_ =	shalt  }
0x84: {  	_ =	shalt  }
0x85: {  	_ =	shalt  }
0x86: {  	_ =	shalt  }
0x87: {  	_ =	shalt  }
.Lfunc_end0:
.L_simem_size_0:
called_computation_lowered:
.L_overlay_start_0:
0x88: {  	s2 =	sld [smem:$0x3FD9]  }
0x89: {  	s3 =	sld [smem:$0x3FFE];
	_ =	sdelay $0x1  }
0x8a: {  	s1 =	srdreg.scid  }
0x8b: {  	s0 =	sand.u32 $0x1, s1  }
0x8c: {  	s17 =	sshll.u32 s0, $0xA;
	s2 =	sadd.s32 s3, s2  }
0x8d: {  	s2 =	sadd.s32 s2, s17  }
0x8e: {  	[smem:$0x3FC6] =	sst s2  }
0x8f: {  	_ = 	snop  }
0x90: {  	s2 =	sld [smem:$0x3FC8]  }
0x91: {  	s18 =	sld [smem:$0x3FD0];
	(tm) =	ssettm $0x1  }
0x92: {  	s4 =	sld [smem:$0x3FFB];
	_ =	sdelay $0x3  }
0x93: {  	_ =	strace s4  }
0x94: {  	s4 =	sld [smem:$0x3FFC];
	_ =	sdelay $0x3  }
0x95: {  	_ =	strace s4  }
0x96: {  	s4 =	sld [smem:$0x3FFD];
	_ =	sdelay $0x3  }
0x97: {  	_ =	strace s4  }
0x98: {  	_ =	strace $0x8FFFFFFF  }
0x99: {  	s19 =	sld [smem:$0x3FDB];
	_ =	sdelay $0x1  }
0x9a: {  	s5 =	simm.s32 $_scs_section_size  }
0x9b: {  	s6 =	simm.s32 $_size__tile_overlayer_lowered;
	s7 =	simm.s32 $_tile_overlayer_lowered  }
0x9c: {  	s22 =	simm.s32 $0x1BFF;
	s21 =	sshll.u32 s7, $0x1;
	s4 =	sadd.s32 s5, s19  }
0x9d: {  	s8 =	simm.s32 $0x0;
	s20 =	sshll.u32 s6, $0x1;
	s6 =	sadd.s32 s21, s4  }
0x9e: {  	[timem:s8], [sflag:s22] =	dma.local [hbm:s6], s20  }
0x9f: {  	_ =	swait.ge [sflag:s22], s20  }
0xa0: {  	s5 =	ssub.s32 $0x0, s20;
	[sflag:s22] =	ssyncset.done $0x0  }
0xa1: {  	[sflag:s22] =	ssyncadd.s32 s5;
	_ =	sdelay $0x1  }
0xa2: {  	s23 =	simm.s32 $0x1B8B  }
0xa3: {  	_ =	swait.ge [sflag:s23], $0x1  }
0xa4: {  	[sflag:s23] =	ssyncset.done $0x0  }
0xa5: {  	s25 =	simm.s32 $0x1B8E;
	s24 =	sld [smem:$0x3FFE];
	[sflag:s23] =	ssyncadd.s32 $0xFFFFFFFF  }
0xa6: {  	s26 =	simm.s32 $execute0_lowered;
	[smem:$0x3FD2] =	sst s25  }
0xa7: {  	s6 =	sshll.u32 s26, $0x1;
	_ =	strace $0x80000046;
	[dreg:$0x1] =	wrdreg $0xFFFFFFFF  }
0xa8: {  	s28 =	simm.s32 $_size_execute0_lowered;
	s4 =	sadd.s32 s4, s6;
	[dreg:$0x0] =	wrdreg $0x0  }
0xa9: {  	s6 =	sshll.u32 s28, $0x1;
	[dreg:$0x2] =	wrdreg s4  }
0xaa: {  	[dreg:$0x3] =	wrdreg s6  }
0xab: {  	[dreg:$0x4] =	wrdreg $0xC0  }
0xac: {  	_ =	task [dreg:s8], $0x5FFFF  }
0xad: {  	[dreg:$0x1] =	wrdreg $0xFFFFFFFF  }
0xae: {  	[dreg:$0x0] =	wrdreg $0x60  }
0xaf: {  	[dreg:$0x2] =	wrdreg s24  }
0xb0: {  	[dreg:$0x3] =	wrdreg s2  }
0xb1: {  	[dreg:$0x4] =	wrdreg s18  }
0xb2: {  	[dreg:$0x5] =	wrdreg $0x9  }
0xb3: {  	_ =	task.clear_ibuf [dreg:s8], $0x6FFFF;
	_ =	strace $0x90000046  }
0xb4: {  	s29 =	simm.s32 $0x9;
	_ =	strace $0x80000048  }
0xb5: {  	_ =	swait.ge [sflag:s29], $0x1  }
0xb6: {  	[sflag:s29] =	ssyncadd.s32 $0xFFFFFFFF  }
0xb7: {  	_ =	strace $0x90000048  }
0xb8: {  	_ =	sfence  }
0xb9: {  	s30 =	sld [smem:$0x0];
	_ =	sdelay $0x2  }
0xba: {  	s31 =	sshll.u32 s1, $0xD;
	s1 =	sshrl.u32 s1, $0x2  }
0xbb: {  	s3 =	sand.u32 $0x4000, s31;
	s1 =	sadd.s32 s1, s30  }
0xbc: {  	s0 =	sor.u32 s3, s0;
	s1 =	sshll.u32 s1, $0x11  }
0xbd: {  	s0 =	sor.u32 s1, s0  }
0xbe: {  	s0 =	sadd.s32 $0x8F2B, s0  }
0xbf: {  	[sflag:s0] =	ssyncadd.remote.s32 $0x1  }
0xc0: {  	_ =	sfence.sel $0xFFFF  }
0xc1: {  	[dreg:$0x0] =	wrdreg $0xFFFFFFFF;
	(pc) =	sbr.abs _section_cstart, $3  }
0xc2: {  	[dreg:$0x1] =	wrdreg $0xFFFFFFFF  }
0xc3: {  	_ =	task.clear_ibuf [dreg:s8], $0x2FFFF;
	_ =	strace $0x9FFFFFFF  }
0xc4: {  	(tm) =	ssettm $0x7FFFFFFF  }
0xc5: {  	_ =	shalt  }
tec
execute0_lowered:
.L_overlay_start_1:
0x0: {  	(tag) =	ssettag $0x1  }
0x1: {  	s0 =	rddreg [dreg:$0x0]  }
0x2: {  	s1 =	rddreg [dreg:$0x1]  }
0x3: {  	s2 =	rddreg [dreg:$0x2];
	s3 =	simm.s32 $0x0;
	s4 =	srdreg.scid  }
0x4: {  	s7 =	stileid.u32;
	s22 =	simm.s32 $0x8800;
	s23 =	simm.s32 $0x9000  }
0x5: {  	s24 =	simm.s32 $0x9800;
	s25 =	simm.s32 $0xA000;
	s26 =	simm.s32 $0xA800  }
0x6: {  	s13 =	simm.s32 $0xC800;
	s14 =	simm.s32 $0xD000;
	[smem:$0x7FF] =	sst s3  }
0x7: {  	s15 =	simm.s32 $0xD800;
	_ =	strace $0x80000047;
	[dreg:$0x5] =	wrdreg s22  }
0x8: {  	s16 =	simm.s32 $0xE000;
	s17 =	simm.s32 $0xE800;
	[dreg:$0x6] =	wrdreg s23  }
0x9: {  	s18 =	simm.s32 $0xF000;
	s19 =	simm.s32 $0xF800;
	[dreg:$0x7] =	wrdreg s24  }
0xa: {  	s20 =	simm.s32 $0x10800;
	s28 =	simm.s32 $0x2;
	[dreg:$0x8] =	wrdreg s25  }
0xb: {  	s29 =	simm.s32 $0x10000;
	s30 =	simm.s32 $0x3;
	[dreg:$0x9] =	wrdreg s26  }
0xc: {  	s31 =	simm.s32 $0x4;
	s4 =	sand.u32 $0x1, s4;
	[dreg:$0xc] =	wrdreg s13  }
0xd: {  	s5 =	sshll.u32 s7, $0xC;
	s7 =	sshll.u32 s7, $0x13;
	[dreg:$0xd] =	wrdreg s14  }
0xe: {  	s9 =	sadd.s32 $0x1400, s1;
	s10 =	sadd.s32 $0x1800, s1;
	[dreg:$0xe] =	wrdreg s15  }
0xf: {  	s11 =	sadd.s32 $0x1C00, s1;
	s6 =	sshll.u32 s4, $0xB;
	[dreg:$0xf] =	wrdreg s16  }
0x10: {  	s21 =	ssub.s32 $0x2, s4;
	s2 =	sadd.s32 s7, s2;
	[dreg:$0x10] =	wrdreg s17  }
0x11: {  	s4 =	sshll.u32 s4, $0x12;
	s7 =	sadd.s32 $0xC00, s1;
	[dreg:$0x11] =	wrdreg s18  }
0x12: {  	s13 =	simm.s32 $0x9;
	s14 =	simm.s32 $0x4000;
	[dreg:$0x12] =	wrdreg s19  }
0x13: {  	[dreg:$0x13] =	wrdreg s20;
	s22 =	simm.s32 $0x11800;
	s23 =	simm.s32 $0x12000  }
0x14: {  	s24 =	simm.s32 $0x12800;
	s25 =	simm.s32 $0x13000;
	s26 =	simm.s32 $0x13800  }
0x15: {  	s15 =	simm.s32 $0x7;
	s16 =	simm.s32 $0x8;
	s17 =	simm.s32 $0x0  }
0x16: {  	s5 =	sor.u32 s6, s5;
	s8 =	sshrl.u32 s21, $0x1;
	[dreg:$0x15] =	wrdreg s22  }
0x17: {  	s2 =	sadd.s32 s4, s2;
	s6 =	sadd.s32 $0x800, s1;
	[dreg:$0x16] =	wrdreg s23  }
0x18: {  	s4 =	simm.s32 $0xB800;
	s22 =	simm.s32 $0x8000;
	[dreg:$0x17] =	wrdreg s24  }
0x19: {  	s23 =	simm.s32 $0x1;
	s24 =	simm.s32 $0x100;
	[dreg:$0x18] =	wrdreg s25  }
0x1a: {  	[dreg:$0x19] =	wrdreg s26;
	s25 =	simm.s32 $0x400;
	s26 =	simm.s32 $0xC000  }
0x1b: {  	s0 =	sadd.s32 s5, s0;
	s12 =	ssub.s32 s21, s8;
	[dreg:$0x4] =	wrdreg s2  }
0x1c: {  	s5 =	sadd.s32 $0x400, s1;
	s2 =	simm.s32 $0xB000;
	[dreg:$0xb] =	wrdreg s4  }
0x1d: {  	v0 =	vlaneseq.u32;
	s8 =	sadd.s32 $0x1000, s1;
	s21 =	simm.s32 $0x11000;
	[dreg:$0xa] =	wrdreg s2  }
0x1e: {  	v1 =	vshrl.u32 v0, $0x1;
	s0 =	sadd.s32 $0x400, s0;
	s12 =	smax.u32 s12, $0x1;
	[dreg:$0x14] =	wrdreg s21  }
0x1f: {  	vm0 =	vmmov $0xffff;
	v0 =	vand.u32 $0x1, v0;
	v1 =	vmul.u32 $0x8, v1;
	s2 =	simm.s32 $0x6;
	[dreg:$0x1a] =	wrdreg s0;
	s0 =	simm.s32 $0x5  }
.LBB2_1:
0x20: {  	s4 =	rddreg [dreg:$0x1a]  }
0x21: {  	[tilespmem:s3], [sflag:$0x9] =	stream.linear.gather [hbm4b:s4+s3], $0x4000, $0x38;
	[tilespmem:$0x14000] =	vst v63  }
0x22: {  	_ =	swait.ge [sflag:s13], $0x4000  }
0x23: {  	[sflag:s13] =	ssyncset.done $0x0  }
0x24: {  	[sflag:s13] =	ssyncadd.s32 $0xFFFFC000  }
0x25: {  	v2 =	vld.msk [tilespmem:$0x0], $0x3;
	_ =	sdelay $0x4  }
0x26: {  	v3 =	vshll.u32 v2, $0x6  }
0x27: {  	v2 =	vand.u32 $0x7, v2;
	v3 =	vand.u32 $0xFFFFFE00, v3  }
0x28: {  	v2 =	vor.u32 v2, v3  }
0x29: {  	v2 =	vperm.xlane v2, v0;
	_ =	sdelay $0x1  }
0x2a: {  	v2 =	vadd.s32 v1, v2;
	_ =	sdelay $0x4  }
0x2b: {  	[tilespmem:s14], [sflag:$0x1] =	stream.indirect_vreg.gather [hbm4b:s1+s3], $0x80, v2, vm0, $0xb8;
	[tilespmem:$0x14000] =	vst v63  }
0x2c: {  	s19 =	simm.s32 $0x4800  }
0x2d: {  	[tilespmem:s19], [sflag:$0x1] =	stream.indirect_vreg.gather [hbm4b:s5+s3], $0x80, v2, vm0, $0xb8;
	[tilespmem:$0x14000] =	vst v63  }
0x2e: {  	s20 =	simm.s32 $0x5000  }
0x2f: {  	[tilespmem:s20], [sflag:$0x1] =	stream.indirect_vreg.gather [hbm4b:s6+s3], $0x80, v2, vm0, $0xb8;
	[tilespmem:$0x14000] =	vst v63  }
0x30: {  	s21 =	simm.s32 $0x5800  }
0x31: {  	[tilespmem:s21], [sflag:$0x1] =	stream.indirect_vreg.gather [hbm4b:s7+s3], $0x80, v2, vm0, $0xb8;
	[tilespmem:$0x14000] =	vst v63  }
0x32: {  	s18 =	simm.s32 $0x6000  }
0x33: {  	[tilespmem:s18], [sflag:$0x1] =	stream.indirect_vreg.gather [hbm4b:s8+s3], $0x80, v2, vm0, $0xb8;
	[tilespmem:$0x14000] =	vst v63  }
0x34: {  	s19 =	simm.s32 $0x6800  }
0x35: {  	[tilespmem:s19], [sflag:$0x1] =	stream.indirect_vreg.gather [hbm4b:s9+s3], $0x80, v2, vm0, $0xb8;
	[tilespmem:$0x14000] =	vst v63  }
0x36: {  	s20 =	simm.s32 $0x7000  }
0x37: {  	[tilespmem:s20], [sflag:$0x1] =	stream.indirect_vreg.gather [hbm4b:s10+s3], $0x80, v2, vm0, $0xb8;
	[tilespmem:$0x14000] =	vst v63  }
0x38: {  	s21 =	simm.s32 $0x7800;
	s18 =	simm.s32 $0x100;
	s19 =	simm.s32 $0x0  }
0x39: {  	[tilespmem:s21], [sflag:$0x1] =	stream.indirect_vreg.gather [hbm4b:s11+s3], $0x80, v2, vm0, $0xb8;
	[tilespmem:$0x14000] =	vst v63  }
.LBB2_2:
0x3a: {  	p0 =	seq.s32 s19, $0x0  }
0x3b: {  	s20 =	simm.s32 @!p0 $0x6  }
0x3c: {  	_ =	swait.ge @!p0 [sflag:s20], $0x4000  }
0x3d: {  	[sflag:s20] =	ssyncset.done @!p0 $0x0  }
0x3e: {  	[sflag:s20] =	ssyncadd.s32 @!p0 $0xFFFFC000  }
0x3f: {  	v2 =	vld.msk [tilespmem:s18+$0xFFFFFF80], $0x3;
	_ =	sdelay $0x4  }
0x40: {  	v3 =	vshll.u32 v2, $0x6  }
0x41: {  	v2 =	vand.u32 $0x7, v2;
	v3 =	vand.u32 $0xFFFFFE00, v3  }
0x42: {  	v2 =	vor.u32 v2, v3  }
0x43: {  	v2 =	vperm.xlane v2, v0;
	_ =	sdelay $0x1  }
0x44: {  	v2 =	vadd.s32 v1, v2;
	_ =	sdelay $0x4  }
0x45: {  	[tilespmem:s22], [sflag:$0x2] =	stream.indirect_vreg.gather [hbm4b:s1+s3], $0x80, v2, vm0, $0xb8;
	[tilespmem:$0x14000] =	vst v63  }
0x46: {  	s4 =	rddreg [dreg:$0x5]  }
0x47: {  	[tilespmem:s4], [sflag:$0x2] =	stream.indirect_vreg.gather [hbm4b:s5+s3], $0x80, v2, vm0, $0xb8;
	[tilespmem:$0x14000] =	vst v63  }
0x48: {  	s21 =	rddreg [dreg:$0x6]  }
0x49: {  	[tilespmem:s21], [sflag:$0x2] =	stream.indirect_vreg.gather [hbm4b:s6+s3], $0x80, v2, vm0, $0xb8;
	[tilespmem:$0x14000] =	vst v63  }
0x4a: {  	s4 =	rddreg [dreg:$0x7]  }
0x4b: {  	[tilespmem:s4], [sflag:$0x2] =	stream.indirect_vreg.gather [hbm4b:s7+s3], $0x80, v2, vm0, $0xb8;
	[tilespmem:$0x14000] =	vst v63  }
0x4c: {  	s21 =	rddreg [dreg:$0x8]  }
0x4d: {  	[tilespmem:s21], [sflag:$0x2] =	stream.indirect_vreg.gather [hbm4b:s8+s3], $0x80, v2, vm0, $0xb8;
	[tilespmem:$0x14000] =	vst v63  }
0x4e: {  	s4 =	rddreg [dreg:$0x9]  }
0x4f: {  	[tilespmem:s4], [sflag:$0x2] =	stream.indirect_vreg.gather [hbm4b:s9+s3], $0x80, v2, vm0, $0xb8;
	[tilespmem:$0x14000] =	vst v63  }
0x50: {  	s21 =	rddreg [dreg:$0xa]  }
0x51: {  	[tilespmem:s21], [sflag:$0x2] =	stream.indirect_vreg.gather [hbm4b:s10+s3], $0x80, v2, vm0, $0xb8;
	[tilespmem:$0x14000] =	vst v63  }
0x52: {  	s4 =	rddreg [dreg:$0xb]  }
0x53: {  	[tilespmem:s4], [sflag:$0x2] =	stream.indirect_vreg.gather [hbm4b:s11+s3], $0x80, v2, vm0, $0xb8;
	[tilespmem:$0x14000] =	vst v63  }
0x54: {  	_ =	swait.ge [sflag:s23], $0x4000  }
0x55: {  	s4 =	rddreg [dreg:$0x4];
	[sflag:s23] =	ssyncset.done $0x0  }
0x56: {  	s21 =	simm.s32 @!p0 $0x7;
	[sflag:s23] =	ssyncadd.s32 $0xFFFFC000;
	s20 =	sadd.s32 s19, s4  }
0x57: {  	[hbm4b:s20+s24] =	stream.strided.scatter [tilespmem:s14], [sflag:$0x5], $0x4000, s25, s24, $0x38;
	[tilespmem:$0x14000] =	vst v63  }
0x58: {  	_ =	swait.ge @!p0 [sflag:s21], $0x4000  }
0x59: {  	[sflag:s21] =	ssyncset.done @!p0 $0x0  }
0x5a: {  	[sflag:s21] =	ssyncadd.s32 @!p0 $0xFFFFC000  }
0x5b: {  	v2 =	vld.msk [tilespmem:s18+$0x0], $0x3;
	_ =	sdelay $0x4  }
0x5c: {  	v3 =	vshll.u32 v2, $0x6  }
0x5d: {  	v2 =	vand.u32 $0x7, v2;
	v3 =	vand.u32 $0xFFFFFE00, v3  }
0x5e: {  	v2 =	vor.u32 v2, v3  }
0x5f: {  	v2 =	vperm.xlane v2, v0;
	_ =	sdelay $0x1  }
0x60: {  	v2 =	vadd.s32 v1, v2;
	_ =	sdelay $0x4  }
0x61: {  	[tilespmem:s26], [sflag:$0x3] =	stream.indirect_vreg.gather [hbm4b:s1+s3], $0x80, v2, vm0, $0xb8;
	[tilespmem:$0x14000] =	vst v63  }
0x62: {  	s21 =	rddreg [dreg:$0xc]  }
0x63: {  	[tilespmem:s21], [sflag:$0x3] =	stream.indirect_vreg.gather [hbm4b:s5+s3], $0x80, v2, vm0, $0xb8;
	[tilespmem:$0x14000] =	vst v63  }
0x64: {  	s4 =	rddreg [dreg:$0xd]  }
0x65: {  	[tilespmem:s4], [sflag:$0x3] =	stream.indirect_vreg.gather [hbm4b:s6+s3], $0x80, v2, vm0, $0xb8;
	[tilespmem:$0x14000] =	vst v63  }
0x66: {  	s21 =	rddreg [dreg:$0xe]  }
0x67: {  	[tilespmem:s21], [sflag:$0x3] =	stream.indirect_vreg.gather [hbm4b:s7+s3], $0x80, v2, vm0, $0xb8;
	[tilespmem:$0x14000] =	vst v63  }
0x68: {  	s4 =	rddreg [dreg:$0xf]  }
0x69: {  	[tilespmem:s4], [sflag:$0x3] =	stream.indirect_vreg.gather [hbm4b:s8+s3], $0x80, v2, vm0, $0xb8;
	[tilespmem:$0x14000] =	vst v63  }
0x6a: {  	s21 =	rddreg [dreg:$0x10]  }
0x6b: {  	[tilespmem:s21], [sflag:$0x3] =	stream.indirect_vreg.gather [hbm4b:s9+s3], $0x80, v2, vm0, $0xb8;
	[tilespmem:$0x14000] =	vst v63  }
0x6c: {  	s4 =	rddreg [dreg:$0x11]  }
0x6d: {  	[tilespmem:s4], [sflag:$0x3] =	stream.indirect_vreg.gather [hbm4b:s10+s3], $0x80, v2, vm0, $0xb8;
	[tilespmem:$0x14000] =	vst v63  }
0x6e: {  	s21 =	rddreg [dreg:$0x12]  }
0x6f: {  	[tilespmem:s21], [sflag:$0x3] =	stream.indirect_vreg.gather [hbm4b:s11+s3], $0x80, v2, vm0, $0xb8;
	[tilespmem:$0x14000] =	vst v63  }
0x70: {  	_ =	swait.ge [sflag:s28], $0x4000  }
0x71: {  	[sflag:s28] =	ssyncset.done $0x0  }
0x72: {  	s4 =	simm.s32 @!p0 $0x8;
	s21 =	sadd.s32 $0x20, s20;
	[sflag:s28] =	ssyncadd.s32 $0xFFFFC000  }
0x73: {  	[hbm4b:s21+s24] =	stream.strided.scatter [tilespmem:s22], [sflag:$0x6], $0x4000, s25, s24, $0x38;
	[tilespmem:$0x14000] =	vst v63  }
0x74: {  	_ =	swait.ge @!p0 [sflag:s4], $0x4000  }
0x75: {  	[sflag:s4] =	ssyncset.done @!p0 $0x0  }
0x76: {  	[sflag:s4] =	ssyncadd.s32 @!p0 $0xFFFFC000  }
0x77: {  	v2 =	vld.msk [tilespmem:s18+$0x80], $0x3;
	_ =	sdelay $0x4  }
0x78: {  	v3 =	vshll.u32 v2, $0x6  }
0x79: {  	v2 =	vand.u32 $0x7, v2;
	v3 =	vand.u32 $0xFFFFFE00, v3  }
0x7a: {  	v2 =	vor.u32 v2, v3  }
0x7b: {  	v2 =	vperm.xlane v2, v0;
	_ =	sdelay $0x1  }
0x7c: {  	v2 =	vadd.s32 v1, v2;
	_ =	sdelay $0x4  }
0x7d: {  	[tilespmem:s29], [sflag:$0x4] =	stream.indirect_vreg.gather [hbm4b:s1+s3], $0x80, v2, vm0, $0xb8;
	[tilespmem:$0x14000] =	vst v63  }
0x7e: {  	s4 =	rddreg [dreg:$0x13]  }
0x7f: {  	[tilespmem:s4], [sflag:$0x4] =	stream.indirect_vreg.gather [hbm4b:s5+s3], $0x80, v2, vm0, $0xb8;
	[tilespmem:$0x14000] =	vst v63  }
0x80: {  	s21 =	rddreg [dreg:$0x14]  }
0x81: {  	[tilespmem:s21], [sflag:$0x4] =	stream.indirect_vreg.gather [hbm4b:s6+s3], $0x80, v2, vm0, $0xb8;
	[tilespmem:$0x14000] =	vst v63  }
0x82: {  	s4 =	rddreg [dreg:$0x15]  }
0x83: {  	[tilespmem:s4], [sflag:$0x4] =	stream.indirect_vreg.gather [hbm4b:s7+s3], $0x80, v2, vm0, $0xb8;
	[tilespmem:$0x14000] =	vst v63  }
0x84: {  	s21 =	rddreg [dreg:$0x16]  }
0x85: {  	[tilespmem:s21], [sflag:$0x4] =	stream.indirect_vreg.gather [hbm4b:s8+s3], $0x80, v2, vm0, $0xb8;
	[tilespmem:$0x14000] =	vst v63  }
0x86: {  	s4 =	rddreg [dreg:$0x17]  }
0x87: {  	[tilespmem:s4], [sflag:$0x4] =	stream.indirect_vreg.gather [hbm4b:s9+s3], $0x80, v2, vm0, $0xb8;
	[tilespmem:$0x14000] =	vst v63  }
0x88: {  	s21 =	rddreg [dreg:$0x18]  }
0x89: {  	[tilespmem:s21], [sflag:$0x4] =	stream.indirect_vreg.gather [hbm4b:s10+s3], $0x80, v2, vm0, $0xb8;
	[tilespmem:$0x14000] =	vst v63  }
0x8a: {  	s4 =	rddreg [dreg:$0x19]  }
0x8b: {  	[tilespmem:s4], [sflag:$0x4] =	stream.indirect_vreg.gather [hbm4b:s11+s3], $0x80, v2, vm0, $0xb8;
	[tilespmem:$0x14000] =	vst v63  }
0x8c: {  	_ =	swait.ge [sflag:s30], $0x4000  }
0x8d: {  	p0 =	seq.s32 s19, $0x3E000;
	[sflag:s30] =	ssyncset.done $0x0  }
0x8e: {  	s21 =	sadd.s32 $0x40, s20;
	s4 =	simm.s32 @!p0 $0x5;
	[sflag:s30] =	ssyncadd.s32 $0xFFFFC000  }
0x8f: {  	[hbm4b:s21+s24] =	stream.strided.scatter [tilespmem:s26], [sflag:$0x7], $0x4000, s25, s24, $0x38;
	[tilespmem:$0x14000] =	vst v63  }
0x90: {  	_ =	swait.ge @!p0 [sflag:s4], $0x4000  }
0x91: {  	[sflag:s4] =	ssyncset.done @!p0 $0x0  }
0x92: {  	[sflag:s4] =	ssyncadd.s32 @!p0 $0xFFFFC000  }
0x93: {  	v2 =	vld.msk @!p0 [tilespmem:s18+$0x100], $0x3;
	_ =	sdelay $0x4  }
0x94: {  	v3 =	vshll.u32 @!p0 v2, $0x6  }
0x95: {  	v4 =	vlaneseq.u32 @!p0;
	v2 =	vand.u32 @!p0 $0x7, v2;
	v3 =	vand.u32 @!p0 $0xFFFFFE00, v3  }
0x96: {  	v2 =	vor.u32 @!p0 v2, v3;
	v3 =	vand.u32 @!p0 $0x1, v4;
	v4 =	vshrl.u32 @!p0 v4, $0x1  }
0x97: {  	v2 =	vperm.xlane @!p0 v2, v3;
	v3 =	vmul.u32 @!p0 $0x8, v4;
	_ =	sdelay $0x1  }
0x98: {  	v2 =	vadd.s32 @!p0 v3, v2;
	_ =	sdelay $0x3  }
0x99: {  	vm1 =	vmmov @!p0 $0xffff;
	s21 =	simm.s32 @!p0 $0x4000;
	s4 =	simm.s32 @!p0 $0x0  }
0x9a: {  	[tilespmem:s21], [sflag:$0x1] =	stream.indirect_vreg.gather @!p0 [hbm4b:s1+s4], $0x80, v2, vm1, $0xb8;
	[tilespmem:$0x14000] =	vst v63  }
0x9b: {  	s21 =	simm.s32 @!p0 $0x4800  }
0x9c: {  	[tilespmem:s21], [sflag:$0x1] =	stream.indirect_vreg.gather @!p0 [hbm4b:s5+s4], $0x80, v2, vm1, $0xb8;
	[tilespmem:$0x14000] =	vst v63  }
0x9d: {  	s21 =	simm.s32 @!p0 $0x5000  }
0x9e: {  	[tilespmem:s21], [sflag:$0x1] =	stream.indirect_vreg.gather @!p0 [hbm4b:s6+s4], $0x80, v2, vm1, $0xb8;
	[tilespmem:$0x14000] =	vst v63  }
0x9f: {  	s21 =	simm.s32 @!p0 $0x5800  }
0xa0: {  	[tilespmem:s21], [sflag:$0x1] =	stream.indirect_vreg.gather @!p0 [hbm4b:s7+s4], $0x80, v2, vm1, $0xb8;
	[tilespmem:$0x14000] =	vst v63  }
0xa1: {  	s21 =	simm.s32 @!p0 $0x6000  }
0xa2: {  	[tilespmem:s21], [sflag:$0x1] =	stream.indirect_vreg.gather @!p0 [hbm4b:s8+s4], $0x80, v2, vm1, $0xb8;
	[tilespmem:$0x14000] =	vst v63  }
0xa3: {  	s21 =	simm.s32 @!p0 $0x6800  }
0xa4: {  	[tilespmem:s21], [sflag:$0x1] =	stream.indirect_vreg.gather @!p0 [hbm4b:s9+s4], $0x80, v2, vm1, $0xb8;
	[tilespmem:$0x14000] =	vst v63  }
0xa5: {  	s21 =	simm.s32 @!p0 $0x7000  }
0xa6: {  	[tilespmem:s21], [sflag:$0x1] =	stream.indirect_vreg.gather @!p0 [hbm4b:s10+s4], $0x80, v2, vm1, $0xb8;
	[tilespmem:$0x14000] =	vst v63  }
0xa7: {  	s19 =	sadd.s32 $0x2000, s19;
	s21 =	simm.s32 @!p0 $0x7800  }
0xa8: {  	[tilespmem:s21], [sflag:$0x1] =	stream.indirect_vreg.gather @!p0 [hbm4b:s11+s4], $0x80, v2, vm1, $0xb8;
	[tilespmem:$0x14000] =	vst v63  }
0xa9: {  	p0 =	sne.s32 s19, $0x40000  }
.Ltmp0:
0xaa: {  	_ = 	snop;
	(pc) =	sbr.rel @p0 .LBB2_2-.Ltmp0, $4  }
0xab: {  	_ =	swait.ge [sflag:s31], $0x4000  }
0xac: {  	[sflag:s31] =	ssyncset.done $0x0  }
0xad: {  	s18 =	sadd.s32 $0x200, s18;
	s21 =	sadd.s32 $0x60, s20;
	[sflag:s31] =	ssyncadd.s32 $0xFFFFC000  }
0xae: {  	[hbm4b:s21+s24] =	stream.strided.scatter [tilespmem:s29], [sflag:$0x8], $0x4000, s25, s24, $0x38;
	[tilespmem:$0x14000] =	vst v63  }
0xaf: {  	_ =	swait.ge [sflag:s0], $0x4000  }
0xb0: {  	[sflag:s0] =	ssyncset.done $0x0  }
0xb1: {  	[sflag:s0] =	ssyncadd.s32 $0xFFFFC000  }
0xb2: {  	_ =	swait.ge [sflag:s2], $0x4000  }
0xb3: {  	[sflag:s2] =	ssyncset.done $0x0  }
0xb4: {  	s17 =	sadd.s32 $0x1, s17;
	[sflag:s2] =	ssyncadd.s32 $0xFFFFC000  }
0xb5: {  	p0 =	sne.s32 s17, s12;
	_ =	swait.ge [sflag:s15], $0x4000  }
.Ltmp1:
0xb6: {  	[sflag:s15] =	ssyncset.done $0x0;
	(pc) =	sbr.rel @p0 .LBB2_1-.Ltmp1, $4  }
0xb7: {  	[sflag:s15] =	ssyncadd.s32 $0xFFFFC000  }
0xb8: {  	_ =	swait.ge [sflag:s16], $0x4000  }
0xb9: {  	[sflag:s16] =	ssyncset.done $0x0  }
0xba: {  	[sflag:s16] =	ssyncadd.s32 $0xFFFFC000  }
0xbb: {  	_ =	sfence.sel $0x180000  }
0xbc: {  	[bflag:$0x0] =	sbarrier.arrive $0xFFFF  }
0xbd: {  	_ =	strace $0x90000047  }
0xbe: {  	s0 =	stileid.u32;
	[bflag:$0x2] =	sbarrier.arrive $0xFFFF  }
0xbf: {  	p0 =	sne.s32 s0, $0x0;
	s0 =	rddreg [dreg:$0x3]  }
0xc0: {  	s0 =	sadd.s32 @!p0 $0x100000, s0  }
0xc1: {  	[sflag:s0] =	ssyncadd.tile.s32 @!p0 $0x1;
	_ =	shalt  }
.Lfunc_end2:
_tile_overlayer_lowered:
.L_overlay_start_2:
0xc2: {  	(tag) =	ssettag $0x2  }
0xc3: {  	s0 =	rddreg [dreg:$0x0];
	s2 =	stileid.u32  }
0xc4: {  	s1 =	rddreg [dreg:$0x1];
	p0 =	sne.s32 s2, $0x0  }
0xc5: {  	s3 =	rddreg [dreg:$0x2];
	[bflag:$0x3] =	sbarrier.arrive $0xFFFF;
	s2 =	simm.s32 @!p0 $0x1C09  }
0xc6: {  	[timem:s3], [sflag:s2] =	dma.local @!p0 [hbm:s0], s1  }
0xc7: {  	s0 =	simm.s32 @!p0 $0x9  }
0xc8: {  	_ =	swait.ge @!p0 [sflag:s0], s1  }
0xc9: {  	s1 =	ssub.s32 @!p0 $0x0, s1;
	[sflag:s0] =	ssyncset.done @!p0 $0x0  }
0xca: {  	[sflag:s0] =	ssyncadd.s32 @!p0 s1  }
0xcb: {  	[bflag:$0x3] =	sbarrier.arrive $0xFFFF  }
0xcc: {  	_ =	shalt  }

</sc_bundles>
